<compile_context>
chip_gen: v7x
topology: tpu7x:2x2x1
jax: 0.10.2.dev20260603
libtpu: 0.0.44.dev20260713+nightly
codegen_flags: <defaults>
</compile_context>

<pallas_src>
import functools

import jax
import jax.numpy as jnp
from jax import lax
from jax.experimental import pallas as pl
from jax.experimental.pallas import tpu as pltpu
from jax.experimental.pallas import tpu_sc as plsc

D = 768
P = 32
GRID = 12
NPATCH = GRID * GRID
VSEQ = NPATCH + 1
EPS = 1e-12


def _sc_gather_rows(table, ids):
    b, l = ids.shape
    info = plsc.get_sparse_core_info()
    nw = info.num_cores * info.num_subcores
    lpad = ((l + 7) // 8) * 8
    while (b * lpad) % (8 * nw):
        lpad += 8
    idx_pad = jnp.pad(ids, ((0, 0), (0, lpad - l))).reshape(-1)
    npad = b * lpad
    b_per_w = npad // nw
    mesh = plsc.VectorSubcoreMesh(core_axis_name="c", subcore_axis_name="s")

    @functools.partial(
        pl.kernel,
        mesh=mesh,
        out_type=jax.ShapeDtypeStruct((npad, D), jnp.float32),
        scratch_types=[
            pltpu.VMEM((b_per_w,), jnp.int32),
            pltpu.VMEM((b_per_w, D), jnp.float32),
            pltpu.SemaphoreType.DMA,
        ],
    )
    def k(table_hbm, idx_hbm, out_hbm, idx_v, rows_v, sem):
        wid = lax.axis_index("s") * info.num_cores + lax.axis_index("c")
        base = wid * b_per_w
        pltpu.sync_copy(idx_hbm.at[pl.ds(base, b_per_w)], idx_v)
        pltpu.async_copy(table_hbm.at[idx_v], rows_v, sem).wait()
        pltpu.sync_copy(rows_v, out_hbm.at[pl.ds(base, b_per_w)])

    return k(table, idx_pad).reshape(b, lpad, D)


def _im2col(img):
    m = img.reshape(3 * GRID * P, GRID * P)
    mt = jnp.transpose(m)
    mt = mt.reshape(GRID, P, 3 * GRID * P)
    mt = jnp.transpose(mt, (0, 2, 1))
    mt = mt.reshape(GRID, 3, GRID, P, P)
    mt = jnp.transpose(mt, (0, 2, 1, 3, 4))
    return mt.reshape(NPATCH, 3 * P * P)


def _main_body(l, pv_ref, rows_ref, tti_ref, tpos_ref, ttype_ref,
               lnw_ref, lnb_ref, mod_ref, wt_ref, comb_ref, out_ref):
    s_count = pv_ref.shape[1]
    x = rows_ref[0, 0:l, :]
    t = tti_ref[0]
    t_col = jnp.transpose(t)
    type0 = ttype_ref[0:1, :]
    type1 = ttype_ref[1:2, :]
    x = x + tpos_ref[...] + type0 + t_col * (type1 - type0)
    mu = jnp.mean(x, axis=-1, keepdims=True)
    var = jnp.mean((x - mu) ** 2, axis=-1, keepdims=True)
    te = (x - mu) * lax.rsqrt(var + EPS) * lnw_ref[...] + lnb_ref[...]
    out_ref[0, 0:l, :] = te + mod_ref[0:1, :]

    for s in range(s_count):
        xs = _im2col(pv_ref[0, s].astype(jnp.bfloat16))
        ys = lax.dot_general(xs, wt_ref[...],
                             (((1,), (1,)), ((), ())),
                             preferred_element_type=jnp.float32)
        ys = ys.reshape(GRID, GRID, D)
        ys = jnp.transpose(ys, (1, 0, 2)).reshape(NPATCH, D)
        cmb = comb_ref[s]
        rows_s = jnp.concatenate([cmb[0:1, :], ys + cmb[1:VSEQ, :]], axis=0)
        base = l + s * VSEQ
        out_ref[0, base:base + VSEQ, :] = rows_s


def _main_call(pv, rows, tti_f, text_pos_emb, text_type_emb, ln_w, ln_b,
               mod_type_emb, wt, comb):
    b, s = pv.shape[0], pv.shape[1]
    l = tti_f.shape[2]
    lpad = rows.shape[1]
    seq = l + s * VSEQ
    return pl.pallas_call(
        functools.partial(_main_body, l),
        grid=(b,),
        in_specs=[
            pl.BlockSpec((1, s, 3, P * GRID, P * GRID),
                         lambda i: (i, 0, 0, 0, 0)),
            pl.BlockSpec((1, lpad, D), lambda i: (i, 0, 0)),
            pl.BlockSpec((1, 1, l), lambda i: (i, 0, 0)),
            pl.BlockSpec((l, D), lambda i: (0, 0)),
            pl.BlockSpec((2, D), lambda i: (0, 0)),
            pl.BlockSpec((1, D), lambda i: (0, 0)),
            pl.BlockSpec((1, D), lambda i: (0, 0)),
            pl.BlockSpec((2, D), lambda i: (0, 0)),
            pl.BlockSpec((D, 3 * P * P), lambda i: (0, 0)),
            pl.BlockSpec((s, VSEQ, D), lambda i: (0, 0, 0)),
        ],
        out_specs=pl.BlockSpec((1, seq, D), lambda i: (i, 0, 0)),
        out_shape=jax.ShapeDtypeStruct((b, seq, D), jnp.float32),
    )(pv, rows, tti_f, text_pos_emb, text_type_emb, ln_w.reshape(1, D),
      ln_b.reshape(1, D), mod_type_emb, wt, comb)


def kernel(input_ids, attention_mask, token_type_ids, pixel_values,
           pixel_mask, word_emb, text_pos_emb, text_type_emb, ln_w, ln_b,
           mod_type_emb, patch_w, patch_b, cls_token, vis_pos_emb,
           img_pos_emb):
    b, l = input_ids.shape
    s = pixel_values.shape[1]

    rows = _sc_gather_rows(word_emb, input_ids)

    tti_f = token_type_ids.astype(jnp.float32).reshape(b, 1, l)
    wt = patch_w.reshape(D, 3 * P * P).astype(jnp.bfloat16)
    extra = jnp.concatenate(
        [cls_token.reshape(1, 1, D),
         jnp.broadcast_to(patch_b.reshape(1, 1, D), (1, NPATCH, D))], axis=1)
    comb = (vis_pos_emb.reshape(1, VSEQ, D) + mod_type_emb[1] + extra
            + img_pos_emb)
    embeddings = _main_call(pixel_values, rows, tti_f, text_pos_emb,
                            text_type_emb, ln_w, ln_b, mod_type_emb, wt,
                            comb)

    m = pixel_mask[:, :, ::P, ::P].reshape(b, s, NPATCH)
    vm = jnp.concatenate([jnp.ones((b, s, 1), m.dtype), m],
                         axis=2).reshape(b, s * VSEQ)
    masks = jnp.concatenate([attention_mask, vm], axis=1)
    return embeddings, masks

# --- scband reference (transcript-rebuilt; emitter-appended) ---
"""Pipeline reference for scband-vilt-set-embeddings-5420248728050 (READ-ONLY COPY).

The authoritative reference and input builder live on the scoring server;
editing this copy changes nothing except your own understanding.
"""

import jax, jax.numpy as jnp
import numpy as np

SET_SIZE = 4
B = 4
TEXT_LEN = 40
D = 768
IMG = 384
P = 32
GRID = IMG // P
NPATCH = GRID * GRID
VSEQ = NPATCH + 1
VOCAB = 30522
EPS = 1e-12


def layer_norm(x, w, b):
    mu = jnp.mean(x, axis=-1, keepdims=True)
    var = jnp.mean((x - mu) ** 2, axis=-1, keepdims=True)
    return (x - mu) / jnp.sqrt(var + EPS) * w + b


def setup_inputs(seed: int = 0):
    key = jax.random.key(seed)
    ks = jax.random.split(key, 12)
    inp = {}
    inp["input_ids"] = jax.random.randint(ks[0], (B, TEXT_LEN), 0, VOCAB, dtype=jnp.int32)
    inp["attention_mask"] = jnp.ones((B, TEXT_LEN), jnp.int32)
    inp["token_type_ids"] = jnp.zeros((B, TEXT_LEN), jnp.int32)
    inp["pixel_values"] = jax.random.normal(ks[1], (B, SET_SIZE, 3, IMG, IMG), jnp.float32)
    inp["pixel_mask"] = jnp.ones((B, SET_SIZE, IMG, IMG), jnp.int32)
    inp["word_emb"] = jax.random.normal(ks[2], (VOCAB, D), jnp.float32) * 0.02
    inp["text_pos_emb"] = jax.random.normal(ks[3], (TEXT_LEN, D), jnp.float32) * 0.02
    inp["text_type_emb"] = jax.random.normal(ks[4], (2, D), jnp.float32) * 0.02
    inp["ln_w"] = jnp.ones((D,), jnp.float32)
    inp["ln_b"] = jnp.zeros((D,), jnp.float32)
    inp["mod_type_emb"] = jax.random.normal(ks[5], (2, D), jnp.float32) * 0.02
    inp["patch_w"] = jax.random.normal(ks[6], (D, 3, P, P), jnp.float32) * 0.02
    inp["patch_b"] = jnp.zeros((D,), jnp.float32)
    inp["cls_token"] = jax.random.normal(ks[7], (1, 1, D), jnp.float32) * 0.02
    inp["vis_pos_emb"] = jax.random.normal(ks[8], (1, VSEQ, D), jnp.float32) * 0.02
    inp["img_pos_emb"] = jnp.zeros((SET_SIZE, VSEQ, D), jnp.float32)
    return inp


def reference(input_ids, attention_mask, token_type_ids, pixel_values, pixel_mask, word_emb, text_pos_emb, text_type_emb, ln_w, ln_b, mod_type_emb, patch_w, patch_b, cls_token, vis_pos_emb, img_pos_emb):
    Bb, L = input_ids.shape
    # ViLT text embeddings (BERT-style): word + position + token_type, then LayerNorm
    te = word_emb[input_ids] + text_pos_emb[jnp.arange(L)][None, :, :] + text_type_emb[token_type_ids]
    te = layer_norm(te, ln_w, ln_b)
    # modality token type embedding for text (index 0, from zeros_like(attention_mask))
    te = te + mod_type_emb[0][None, None, :]

    # visual_embed for each set of images; process all B*set_size images at once
    S = pixel_values.shape[1]
    N = Bb * S
    pv = pixel_values.reshape(N, 3, GRID, P, GRID, P)
    patches = jnp.transpose(pv, (0, 2, 4, 1, 3, 5)).reshape(N, NPATCH, 3 * P * P)
    x = patches @ patch_w.reshape(D, 3 * P * P).T + patch_b  # patch conv as matmul (stride==kernel)
    # nearest-neighbor downsample of pixel_mask to patch grid (full masks here)
    m = pixel_mask[:, :, ::P, ::P].reshape(N, NPATCH)
    # at native resolution with full masks, pos-embed interpolation is identity and
    # patch selection keeps all patches (max_image_length covers the full grid)
    cls = jnp.broadcast_to(cls_token, (N, 1, D))
    x = jnp.concatenate([cls, x], axis=1)
    x = x + vis_pos_emb
    # modality token type embedding for image (index 1)
    x = x + mod_type_emb[1][None, None, :]
    vm = jnp.concatenate([jnp.ones((N, 1), m.dtype), m], axis=1)

    # stack per-set, add image-level positional embeddings, flatten set into sequence
    x = x.reshape(Bb, S, VSEQ, D) + img_pos_emb[None, :, :, :]
    x = x.reshape(Bb, S * VSEQ, D)
    vm = vm.reshape(Bb, S * VSEQ)

    embeddings = jnp.concatenate([te, x], axis=1)
    masks = jnp.concatenate([attention_mask, vm], axis=1)
    return embeddings, masks

if __name__ == "__main__":
    import jax
    _d = setup_inputs()
    print(jax.jit(kernel)(*tuple(_d.values())))

</pallas_src>

<mosaic_0001>
#map = affine_map<(d0, d1) -> (0, 0)>
#map1 = affine_map<(d0, d1) -> (0)>
module attributes {stable_mosaic.version = 14 : i64} {
  func.func @k(%arg0: i32, %arg1: i32, %arg2: memref<30522x768xf32, #tpu.memory_space<hbm>>, %arg3: memref<256xi32, #tpu.memory_space<hbm>>, %arg4: memref<256x768xf32, #tpu.memory_space<hbm>>, %arg5: memref<8xi32, #tpu.memory_space<vmem>>, %arg6: memref<8x768xf32, #tpu.memory_space<vmem>>, %arg7: memref<!tpu.dma_semaphore, #tpu.memory_space<semaphore_mem>>) attributes {dimension_semantics = [#tpu.dimension_semantics<core_parallel>, #tpu.dimension_semantics<subcore_parallel>], iteration_bounds = array<i64: 2, 16>, scalar_prefetch = 0 : i64, scratch_operands = 3 : i64, tpu.core_type = #tpu.core_type<sc_vector_subcore>, window_params = [{transform_indices = #map}, {transform_indices = #map1}, {transform_indices = #map}]} {
    %mul3A = arith.constant 2 : i32
    %mul3A_0 = arith.muli %arg1, %mul3A : i32
    %add3A = arith.addi %mul3A_0, %arg0 : i32
    %mul3A_1 = arith.constant 8 : i32
    %mul3A_2 = arith.muli %add3A, %mul3A_1 : i32
    "tpu.region"() ({
      %run_scoped3A = tpu.sem_alloc : memref<!tpu.dma_semaphore, #tpu.memory_space<semaphore_mem>>
      %dma_start3A_7 = tpu.memref_slice %arg3[%mul3A_2] : memref<256xi32, #tpu.memory_space<hbm>> -> memref<8xi32, #tpu.memory_space<hbm>>
      %dma_start3A_8 = tpu.memref_slice %arg3[%mul3A_2] : memref<256xi32, #tpu.memory_space<hbm>> -> memref<8xi32, #tpu.memory_space<hbm>>
      tpu.enqueue_dma source(%dma_start3A_8 : memref<8xi32, #tpu.memory_space<hbm>>) target(%arg5 : memref<8xi32, #tpu.memory_space<vmem>>) target_semaphore(%run_scoped3A : memref<!tpu.dma_semaphore, #tpu.memory_space<semaphore_mem>>)
      %dma_wait3A_9 = tpu.memref_slice %arg3[%mul3A_2] : memref<256xi32, #tpu.memory_space<hbm>> -> memref<8xi32, #tpu.memory_space<hbm>>
      %dma_wait3A_10 = tpu.memref_slice %arg3[%mul3A_2] : memref<256xi32, #tpu.memory_space<hbm>> -> memref<8xi32, #tpu.memory_space<hbm>>
      tpu.wait_dma2 semaphore(%run_scoped3A : memref<!tpu.dma_semaphore, #tpu.memory_space<semaphore_mem>>) src(%dma_wait3A_10 : memref<8xi32, #tpu.memory_space<hbm>>) dst(%arg5 : memref<8xi32, #tpu.memory_space<vmem>>)
      tpu.yield
    }) : () -> ()
    %dma_start3A = arith.constant 0 : i32
    %dma_start3A_3 = arith.constant 0 : i32
    %dma_start3A_4 = tpu.memref_slice %arg2[%dma_start3A, %dma_start3A_3] : memref<30522x768xf32, #tpu.memory_space<hbm>> -> memref<30522x768xf32, #tpu.memory_space<hbm>>
    tpu.enqueue_indirect_dma source(%dma_start3A_4 : memref<30522x768xf32, #tpu.memory_space<hbm>>) target(%arg6 : memref<8x768xf32, #tpu.memory_space<vmem>>) offsets(%arg5 : memref<8xi32, #tpu.memory_space<vmem>>) semaphore(%arg7 : memref<!tpu.dma_semaphore, #tpu.memory_space<semaphore_mem>>)
    %dma_wait3A = arith.constant 0 : i32
    %dma_wait3A_5 = arith.constant 0 : i32
    %dma_wait3A_6 = tpu.memref_slice %arg2[%dma_wait3A, %dma_wait3A_5] : memref<30522x768xf32, #tpu.memory_space<hbm>> -> memref<30522x768xf32, #tpu.memory_space<hbm>>
    tpu.wait_indirect_dma semaphore(%arg7 : memref<!tpu.dma_semaphore, #tpu.memory_space<semaphore_mem>>) src(%dma_wait3A_6 : memref<30522x768xf32, #tpu.memory_space<hbm>>) dst(%arg6 : memref<8x768xf32, #tpu.memory_space<vmem>>)
    "tpu.region"() ({
      %run_scoped3A = tpu.sem_alloc : memref<!tpu.dma_semaphore, #tpu.memory_space<semaphore_mem>>
      %dma_start3A_7 = arith.constant 0 : i32
      %dma_start3A_8 = tpu.memref_slice %arg4[%mul3A_2, %dma_start3A_7] : memref<256x768xf32, #tpu.memory_space<hbm>> -> memref<8x768xf32, #tpu.memory_space<hbm>>
      %dma_start3A_9 = arith.constant 0 : i32
      %dma_start3A_10 = tpu.memref_slice %arg4[%mul3A_2, %dma_start3A_9] : memref<256x768xf32, #tpu.memory_space<hbm>> -> memref<8x768xf32, #tpu.memory_space<hbm>>
      tpu.enqueue_dma source(%arg6 : memref<8x768xf32, #tpu.memory_space<vmem>>) target(%dma_start3A_10 : memref<8x768xf32, #tpu.memory_space<hbm>>) target_semaphore(%run_scoped3A : memref<!tpu.dma_semaphore, #tpu.memory_space<semaphore_mem>>)
      %dma_wait3A_11 = arith.constant 0 : i32
      %dma_wait3A_12 = tpu.memref_slice %arg4[%mul3A_2, %dma_wait3A_11] : memref<256x768xf32, #tpu.memory_space<hbm>> -> memref<8x768xf32, #tpu.memory_space<hbm>>
      %dma_wait3A_13 = arith.constant 0 : i32
      %dma_wait3A_14 = tpu.memref_slice %arg4[%mul3A_2, %dma_wait3A_13] : memref<256x768xf32, #tpu.memory_space<hbm>> -> memref<8x768xf32, #tpu.memory_space<hbm>>
      tpu.wait_dma2 semaphore(%run_scoped3A : memref<!tpu.dma_semaphore, #tpu.memory_space<semaphore_mem>>) src(%arg6 : memref<8x768xf32, #tpu.memory_space<vmem>>) dst(%dma_wait3A_14 : memref<8x768xf32, #tpu.memory_space<hbm>>)
      tpu.yield
    }) : () -> ()
    return
  }
}

module attributes {stable_mosaic.version = 14 : i64} {
  func.func @_main_body(%arg0: i32, %arg1: memref<1x4x3x384x384xf32, #tpu.memory_space<vmem>>, %arg2: memref<1x64x768xf32, #tpu.memory_space<vmem>>, %arg3: memref<1x1x40xf32, #tpu.memory_space<vmem>>, %arg4: memref<40x768xf32, #tpu.memory_space<vmem>>, %arg5: memref<2x768xf32, #tpu.memory_space<vmem>>, %arg6: memref<1x768xf32, #tpu.memory_space<vmem>>, %arg7: memref<1x768xf32, #tpu.memory_space<vmem>>, %arg8: memref<2x768xf32, #tpu.memory_space<vmem>>, %arg9: memref<768x3072xbf16, #tpu.memory_space<vmem>>, %arg10: memref<4x145x768xf32, #tpu.memory_space<vmem>>, %arg11: memref<1x620x768xf32, #tpu.memory_space<vmem>>) attributes {dimension_semantics = [#tpu.dimension_semantics<arbitrary>], iteration_bounds = array<i64: 4>, scalar_prefetch = 0 : i64, scratch_operands = 0 : i64, tpu.core_type = #tpu.core_type<tc>, window_params = [{transform_indices = @transform_0, window_bounds = array<i64: 1, 4, 3, 384, 384>}, {transform_indices = @transform_1, window_bounds = array<i64: 1, 64, 768>}, {transform_indices = @transform_2, window_bounds = array<i64: 1, 1, 40>}, {pipeline_mode = #tpu.pipeline_mode<synchronous>, transform_indices = @transform_3, window_bounds = array<i64: 40, 768>}, {pipeline_mode = #tpu.pipeline_mode<synchronous>, transform_indices = @transform_4, window_bounds = array<i64: 2, 768>}, {pipeline_mode = #tpu.pipeline_mode<synchronous>, transform_indices = @transform_5, window_bounds = array<i64: 1, 768>}, {pipeline_mode = #tpu.pipeline_mode<synchronous>, transform_indices = @transform_6, window_bounds = array<i64: 1, 768>}, {pipeline_mode = #tpu.pipeline_mode<synchronous>, transform_indices = @transform_7, window_bounds = array<i64: 2, 768>}, {pipeline_mode = #tpu.pipeline_mode<synchronous>, transform_indices = @transform_8, window_bounds = array<i64: 768, 3072>}, {pipeline_mode = #tpu.pipeline_mode<synchronous>, transform_indices = @transform_9, window_bounds = array<i64: 4, 145, 768>}, {transform_indices = @transform_10, window_bounds = array<i64: 1, 620, 768>}]} {
    %get3A = arith.constant 0 : index
    %get3A_0 = arith.constant 0 : index
    %get3A_1 = arith.constant 0 : index
    %get3A_2 = vector.load %arg2[%get3A, %get3A_0, %get3A_1] : memref<1x64x768xf32, #tpu.memory_space<vmem>>, vector<1x40x768xf32>
    %get3A_3 = vector.shape_cast %get3A_2 : vector<1x40x768xf32> to vector<40x768xf32>
    %get3A_4 = arith.constant 0 : index
    %get3A_5 = arith.constant 0 : index
    %get3A_6 = arith.constant 0 : index
    %get3A_7 = vector.load %arg3[%get3A_4, %get3A_5, %get3A_6] : memref<1x1x40xf32, #tpu.memory_space<vmem>>, vector<1x1x40xf32>
    %get3A_8 = vector.shape_cast %get3A_7 : vector<1x1x40xf32> to vector<1x40xf32>
    %transpose3A = tpu.transpose %get3A_8, [1, 0] : vector<1x40xf32> -> vector<40x1xf32>
    %get3A_9 = arith.constant 0 : index
    %get3A_10 = arith.constant 0 : index
    %get3A_11 = vector.load %arg5[%get3A_9, %get3A_10] : memref<2x768xf32, #tpu.memory_space<vmem>>, vector<1x768xf32>
    %get3A_12 = arith.constant 1 : index
    %get3A_13 = arith.constant 0 : index
    %get3A_14 = vector.load %arg5[%get3A_12, %get3A_13] : memref<2x768xf32, #tpu.memory_space<vmem>>, vector<1x768xf32>
    %get3A_15 = arith.constant 0 : index
    %get3A_16 = arith.constant 0 : index
    %get3A_17 = vector.load %arg4[%get3A_15, %get3A_16] : memref<40x768xf32, #tpu.memory_space<vmem>>, vector<40x768xf32>
    %add3A = arith.addf %get3A_3, %get3A_17 : vector<40x768xf32>
    %add3A_18 = vector.broadcast %get3A_11 : vector<1x768xf32> to vector<40x768xf32>
    %add3A_19 = arith.addf %add3A, %add3A_18 : vector<40x768xf32>
    %sub3A = arith.subf %get3A_14, %get3A_11 : vector<1x768xf32>
    %mul3A = vector.broadcast %transpose3A : vector<40x1xf32> to vector<40x768xf32>
    %mul3A_20 = vector.broadcast %sub3A : vector<1x768xf32> to vector<40x768xf32>
    %mul3A_21 = arith.mulf %mul3A, %mul3A_20 : vector<40x768xf32>
    %add3A_22 = arith.addf %add3A_19, %mul3A_21 : vector<40x768xf32>
    %reduce_sum3A = arith.constant dense<0.000000e+00> : vector<40xf32>
    %reduce_sum3A_23 = vector.multi_reduction <add>, %add3A_22, %reduce_sum3A [1] : vector<40x768xf32> to vector<40xf32>
    %broadcast_in_dim3A = vector.shape_cast %reduce_sum3A_23 : vector<40xf32> to vector<40x1xf32>
    %div3A = arith.constant 7.680000e+02 : f32
    %div3A_24 = vector.broadcast %div3A : f32 to vector<40x1xf32>
    %div3A_25 = arith.divf %broadcast_in_dim3A, %div3A_24 : vector<40x1xf32>
    %sub3A_26 = vector.broadcast %div3A_25 : vector<40x1xf32> to vector<40x768xf32>
    %sub3A_27 = arith.subf %add3A_22, %sub3A_26 : vector<40x768xf32>
    %integer_pow3A = arith.mulf %sub3A_27, %sub3A_27 : vector<40x768xf32>
    %reduce_sum3A_28 = arith.constant dense<0.000000e+00> : vector<40xf32>
    %reduce_sum3A_29 = vector.multi_reduction <add>, %integer_pow3A, %reduce_sum3A_28 [1] : vector<40x768xf32> to vector<40xf32>
    %broadcast_in_dim3A_30 = vector.shape_cast %reduce_sum3A_29 : vector<40xf32> to vector<40x1xf32>
    %div3A_31 = arith.constant 7.680000e+02 : f32
    %div3A_32 = vector.broadcast %div3A_31 : f32 to vector<40x1xf32>
    %div3A_33 = arith.divf %broadcast_in_dim3A_30, %div3A_32 : vector<40x1xf32>
    %sub3A_34 = vector.broadcast %div3A_25 : vector<40x1xf32> to vector<40x768xf32>
    %sub3A_35 = arith.subf %add3A_22, %sub3A_34 : vector<40x768xf32>
    %add3A_36 = arith.constant 9.99999996E-13 : f32
    %add3A_37 = vector.broadcast %add3A_36 : f32 to vector<40x1xf32>
    %add3A_38 = arith.addf %div3A_33, %add3A_37 : vector<40x1xf32>
    %rsqrt3A = math.rsqrt %add3A_38 : vector<40x1xf32>
    %mul3A_39 = vector.broadcast %rsqrt3A : vector<40x1xf32> to vector<40x768xf32>
    %mul3A_40 = arith.mulf %sub3A_35, %mul3A_39 : vector<40x768xf32>
    %get3A_41 = arith.constant 0 : index
    %get3A_42 = arith.constant 0 : index
    %get3A_43 = vector.load %arg6[%get3A_41, %get3A_42] : memref<1x768xf32, #tpu.memory_space<vmem>>, vector<1x768xf32>
    %mul3A_44 = vector.broadcast %get3A_43 : vector<1x768xf32> to vector<40x768xf32>
    %mul3A_45 = arith.mulf %mul3A_40, %mul3A_44 : vector<40x768xf32>
    %get3A_46 = arith.constant 0 : index
    %get3A_47 = arith.constant 0 : index
    %get3A_48 = vector.load %arg7[%get3A_46, %get3A_47] : memref<1x768xf32, #tpu.memory_space<vmem>>, vector<1x768xf32>
    %add3A_49 = vector.broadcast %get3A_48 : vector<1x768xf32> to vector<40x768xf32>
    %add3A_50 = arith.addf %mul3A_45, %add3A_49 : vector<40x768xf32>
    %get3A_51 = arith.constant 0 : index
    %get3A_52 = arith.constant 0 : index
    %get3A_53 = vector.load %arg8[%get3A_51, %get3A_52] : memref<2x768xf32, #tpu.memory_space<vmem>>, vector<1x768xf32>
    %add3A_54 = vector.broadcast %get3A_53 : vector<1x768xf32> to vector<40x768xf32>
    %add3A_55 = arith.addf %add3A_50, %add3A_54 : vector<40x768xf32>
    %swap3A = arith.constant 0 : index
    %swap3A_56 = arith.constant 0 : index
    %swap3A_57 = arith.constant 0 : index
    %swap3A_58 = vector.load %arg11[%swap3A, %swap3A_56, %swap3A_57] : memref<1x620x768xf32, #tpu.memory_space<vmem>>, vector<1x40x768xf32>
    %swap3A_59 = vector.shape_cast %swap3A_58 : vector<1x40x768xf32> to vector<40x768xf32>
    %swap3A_60 = vector.shape_cast %add3A_55 : vector<40x768xf32> to vector<1x40x768xf32>
    tpu.vector_store %arg11[%swap3A, %swap3A_56, %swap3A_57], %swap3A_60 {strides = array<i32>} : memref<1x620x768xf32, #tpu.memory_space<vmem>>, vector<1x40x768xf32>,
    %get3A_61 = arith.constant 0 : index
    %get3A_62 = arith.constant 0 : index
    %get3A_63 = arith.constant 0 : index
    %get3A_64 = arith.constant 0 : index
    %get3A_65 = arith.constant 0 : index
    %get3A_66 = vector.load %arg1[%get3A_61, %get3A_62, %get3A_63, %get3A_64, %get3A_65] : memref<1x4x3x384x384xf32, #tpu.memory_space<vmem>>, vector<1x1x3x384x384xf32>
    %get3A_67 = vector.shape_cast %get3A_66 : vector<1x1x3x384x384xf32> to vector<3x384x384xf32>
    %convert_element_type3A = arith.truncf %get3A_67 : vector<3x384x384xf32> to vector<3x384x384xbf16>
    %reshape3A = vector.shape_cast %convert_element_type3A : vector<3x384x384xbf16> to vector<1152x384xbf16>
    %transpose3A_68 = tpu.transpose %reshape3A, [1, 0] : vector<1152x384xbf16> -> vector<384x1152xbf16>
    %reshape3A_69 = vector.shape_cast %transpose3A_68 : vector<384x1152xbf16> to vector<12x32x1152xbf16>
    %transpose3A_70 = tpu.transpose %reshape3A_69, [0, 2, 1] : vector<12x32x1152xbf16> -> vector<12x1152x32xbf16>
    %reshape3A_71 = vector.shape_cast %transpose3A_70 : vector<12x1152x32xbf16> to vector<12x3x12x32x32xbf16>
    %transpose3A_72 = tpu.transpose %reshape3A_71, [0, 2, 1, 3, 4] : vector<12x3x12x32x32xbf16> -> vector<12x12x3x32x32xbf16>
    %reshape3A_73 = vector.shape_cast %transpose3A_72 : vector<12x12x3x32x32xbf16> to vector<144x3072xbf16>
    %get3A_74 = arith.constant 0 : index
    %get3A_75 = arith.constant 0 : index
    %get3A_76 = vector.load %arg9[%get3A_74, %get3A_75] : memref<768x3072xbf16, #tpu.memory_space<vmem>>, vector<768x3072xbf16>
    %dot_general3A = arith.constant dense<0.000000e+00> : vector<144x768xf32>
    %dot_general3A_77 = tpu.matmul %reshape3A_73, %get3A_76, %dot_general3A {dimension_numbers = #tpu.dot_dimension_numbers<[1], [1], [0], [0], [0, 0, 1, 0], [], []>, transpose_lhs_hint = false} : vector<144x3072xbf16>, vector<768x3072xbf16>, vector<144x768xf32> -> vector<144x768xf32>
    %reshape3A_78 = vector.shape_cast %dot_general3A_77 : vector<144x768xf32> to vector<12x12x768xf32>
    %transpose3A_79 = tpu.transpose %reshape3A_78, [1, 0, 2] : vector<12x12x768xf32> -> vector<12x12x768xf32>
    %reshape3A_80 = vector.shape_cast %transpose3A_79 : vector<12x12x768xf32> to vector<144x768xf32>
    %get3A_81 = arith.constant 0 : index
    %get3A_82 = arith.constant 0 : index
    %get3A_83 = arith.constant 0 : index
    %get3A_84 = vector.load %arg10[%get3A_81, %get3A_82, %get3A_83] : memref<4x145x768xf32, #tpu.memory_space<vmem>>, vector<1x145x768xf32>
    %get3A_85 = vector.shape_cast %get3A_84 : vector<1x145x768xf32> to vector<145x768xf32>
    %slice3A = vector.extract_strided_slice %get3A_85 {offsets = [0, 0], sizes = [1, 768], strides = [1, 1]} : vector<145x768xf32> to vector<1x768xf32>
    %slice3A_86 = vector.extract_strided_slice %get3A_85 {offsets = [1, 0], sizes = [144, 768], strides = [1, 1]} : vector<145x768xf32> to vector<144x768xf32>
    %add3A_87 = arith.addf %reshape3A_80, %slice3A_86 : vector<144x768xf32>
    %concatenate3A = tpu.concatenate %slice3A, %add3A_87 in 0 : vector<1x768xf32>, vector<144x768xf32> -> vector<145x768xf32>
    %swap3A_88 = arith.constant 0 : index
    %swap3A_89 = arith.constant 40 : index
    %swap3A_90 = arith.constant 0 : index
    %swap3A_91 = vector.load %arg11[%swap3A_88, %swap3A_89, %swap3A_90] : memref<1x620x768xf32, #tpu.memory_space<vmem>>, vector<1x145x768xf32>
    %swap3A_92 = vector.shape_cast %swap3A_91 : vector<1x145x768xf32> to vector<145x768xf32>
    %swap3A_93 = vector.shape_cast %concatenate3A : vector<145x768xf32> to vector<1x145x768xf32>
    tpu.vector_store %arg11[%swap3A_88, %swap3A_89, %swap3A_90], %swap3A_93 {strides = array<i32>} : memref<1x620x768xf32, #tpu.memory_space<vmem>>, vector<1x145x768xf32>,
    %get3A_94 = arith.constant 0 : index
    %get3A_95 = arith.constant 1 : index
    %get3A_96 = arith.constant 0 : index
    %get3A_97 = arith.constant 0 : index
    %get3A_98 = arith.constant 0 : index
    %get3A_99 = vector.load %arg1[%get3A_94, %get3A_95, %get3A_96, %get3A_97, %get3A_98] : memref<1x4x3x384x384xf32, #tpu.memory_space<vmem>>, vector<1x1x3x384x384xf32>
    %get3A_100 = vector.shape_cast %get3A_99 : vector<1x1x3x384x384xf32> to vector<3x384x384xf32>
    %convert_element_type3A_101 = arith.truncf %get3A_100 : vector<3x384x384xf32> to vector<3x384x384xbf16>
    %reshape3A_102 = vector.shape_cast %convert_element_type3A_101 : vector<3x384x384xbf16> to vector<1152x384xbf16>
    %transpose3A_103 = tpu.transpose %reshape3A_102, [1, 0] : vector<1152x384xbf16> -> vector<384x1152xbf16>
    %reshape3A_104 = vector.shape_cast %transpose3A_103 : vector<384x1152xbf16> to vector<12x32x1152xbf16>
    %transpose3A_105 = tpu.transpose %reshape3A_104, [0, 2, 1] : vector<12x32x1152xbf16> -> vector<12x1152x32xbf16>
    %reshape3A_106 = vector.shape_cast %transpose3A_105 : vector<12x1152x32xbf16> to vector<12x3x12x32x32xbf16>
    %transpose3A_107 = tpu.transpose %reshape3A_106, [0, 2, 1, 3, 4] : vector<12x3x12x32x32xbf16> -> vector<12x12x3x32x32xbf16>
    %reshape3A_108 = vector.shape_cast %transpose3A_107 : vector<12x12x3x32x32xbf16> to vector<144x3072xbf16>
    %get3A_109 = arith.constant 0 : index
    %get3A_110 = arith.constant 0 : index
    %get3A_111 = vector.load %arg9[%get3A_109, %get3A_110] : memref<768x3072xbf16, #tpu.memory_space<vmem>>, vector<768x3072xbf16>
    %dot_general3A_112 = arith.constant dense<0.000000e+00> : vector<144x768xf32>
    %dot_general3A_113 = tpu.matmul %reshape3A_108, %get3A_111, %dot_general3A_112 {dimension_numbers = #tpu.dot_dimension_numbers<[1], [1], [0], [0], [0, 0, 1, 0], [], []>, transpose_lhs_hint = false} : vector<144x3072xbf16>, vector<768x3072xbf16>, vector<144x768xf32> -> vector<144x768xf32>
    %reshape3A_114 = vector.shape_cast %dot_general3A_113 : vector<144x768xf32> to vector<12x12x768xf32>
    %transpose3A_115 = tpu.transpose %reshape3A_114, [1, 0, 2] : vector<12x12x768xf32> -> vector<12x12x768xf32>
    %reshape3A_116 = vector.shape_cast %transpose3A_115 : vector<12x12x768xf32> to vector<144x768xf32>
    %get3A_117 = arith.constant 1 : index
    %get3A_118 = arith.constant 0 : index
    %get3A_119 = arith.constant 0 : index
    %get3A_120 = vector.load %arg10[%get3A_117, %get3A_118, %get3A_119] : memref<4x145x768xf32, #tpu.memory_space<vmem>>, vector<1x145x768xf32>
    %get3A_121 = vector.shape_cast %get3A_120 : vector<1x145x768xf32> to vector<145x768xf32>
    %slice3A_122 = vector.extract_strided_slice %get3A_121 {offsets = [0, 0], sizes = [1, 768], strides = [1, 1]} : vector<145x768xf32> to vector<1x768xf32>
    %slice3A_123 = vector.extract_strided_slice %get3A_121 {offsets = [1, 0], sizes = [144, 768], strides = [1, 1]} : vector<145x768xf32> to vector<144x768xf32>
    %add3A_124 = arith.addf %reshape3A_116, %slice3A_123 : vector<144x768xf32>
    %concatenate3A_125 = tpu.concatenate %slice3A_122, %add3A_124 in 0 : vector<1x768xf32>, vector<144x768xf32> -> vector<145x768xf32>
    %swap3A_126 = arith.constant 0 : index
    %swap3A_127 = arith.constant 185 : index
    %swap3A_128 = arith.constant 0 : index
    %swap3A_129 = vector.load %arg11[%swap3A_126, %swap3A_127, %swap3A_128] : memref<1x620x768xf32, #tpu.memory_space<vmem>>, vector<1x145x768xf32>
    %swap3A_130 = vector.shape_cast %swap3A_129 : vector<1x145x768xf32> to vector<145x768xf32>
    %swap3A_131 = vector.shape_cast %concatenate3A_125 : vector<145x768xf32> to vector<1x145x768xf32>
    tpu.vector_store %arg11[%swap3A_126, %swap3A_127, %swap3A_128], %swap3A_131 {strides = array<i32>} : memref<1x620x768xf32, #tpu.memory_space<vmem>>, vector<1x145x768xf32>,
    %get3A_132 = arith.constant 0 : index
    %get3A_133 = arith.constant 2 : index
    %get3A_134 = arith.constant 0 : index
    %get3A_135 = arith.constant 0 : index
    %get3A_136 = arith.constant 0 : index
    %get3A_137 = vector.load %arg1[%get3A_132, %get3A_133, %get3A_134, %get3A_135, %get3A_136] : memref<1x4x3x384x384xf32, #tpu.memory_space<vmem>>, vector<1x1x3x384x384xf32>
    %get3A_138 = vector.shape_cast %get3A_137 : vector<1x1x3x384x384xf32> to vector<3x384x384xf32>
    %convert_element_type3A_139 = arith.truncf %get3A_138 : vector<3x384x384xf32> to vector<3x384x384xbf16>
    %reshape3A_140 = vector.shape_cast %convert_element_type3A_139 : vector<3x384x384xbf16> to vector<1152x384xbf16>
    %transpose3A_141 = tpu.transpose %reshape3A_140, [1, 0] : vector<1152x384xbf16> -> vector<384x1152xbf16>
    %reshape3A_142 = vector.shape_cast %transpose3A_141 : vector<384x1152xbf16> to vector<12x32x1152xbf16>
    %transpose3A_143 = tpu.transpose %reshape3A_142, [0, 2, 1] : vector<12x32x1152xbf16> -> vector<12x1152x32xbf16>
    %reshape3A_144 = vector.shape_cast %transpose3A_143 : vector<12x1152x32xbf16> to vector<12x3x12x32x32xbf16>
    %transpose3A_145 = tpu.transpose %reshape3A_144, [0, 2, 1, 3, 4] : vector<12x3x12x32x32xbf16> -> vector<12x12x3x32x32xbf16>
    %reshape3A_146 = vector.shape_cast %transpose3A_145 : vector<12x12x3x32x32xbf16> to vector<144x3072xbf16>
    %get3A_147 = arith.constant 0 : index
    %get3A_148 = arith.constant 0 : index
    %get3A_149 = vector.load %arg9[%get3A_147, %get3A_148] : memref<768x3072xbf16, #tpu.memory_space<vmem>>, vector<768x3072xbf16>
    %dot_general3A_150 = arith.constant dense<0.000000e+00> : vector<144x768xf32>
    %dot_general3A_151 = tpu.matmul %reshape3A_146, %get3A_149, %dot_general3A_150 {dimension_numbers = #tpu.dot_dimension_numbers<[1], [1], [0], [0], [0, 0, 1, 0], [], []>, transpose_lhs_hint = false} : vector<144x3072xbf16>, vector<768x3072xbf16>, vector<144x768xf32> -> vector<144x768xf32>
    %reshape3A_152 = vector.shape_cast %dot_general3A_151 : vector<144x768xf32> to vector<12x12x768xf32>
    %transpose3A_153 = tpu.transpose %reshape3A_152, [1, 0, 2] : vector<12x12x768xf32> -> vector<12x12x768xf32>
    %reshape3A_154 = vector.shape_cast %transpose3A_153 : vector<12x12x768xf32> to vector<144x768xf32>
    %get3A_155 = arith.constant 2 : index
    %get3A_156 = arith.constant 0 : index
    %get3A_157 = arith.constant 0 : index
    %get3A_158 = vector.load %arg10[%get3A_155, %get3A_156, %get3A_157] : memref<4x145x768xf32, #tpu.memory_space<vmem>>, vector<1x145x768xf32>
    %get3A_159 = vector.shape_cast %get3A_158 : vector<1x145x768xf32> to vector<145x768xf32>
    %slice3A_160 = vector.extract_strided_slice %get3A_159 {offsets = [0, 0], sizes = [1, 768], strides = [1, 1]} : vector<145x768xf32> to vector<1x768xf32>
    %slice3A_161 = vector.extract_strided_slice %get3A_159 {offsets = [1, 0], sizes = [144, 768], strides = [1, 1]} : vector<145x768xf32> to vector<144x768xf32>
    %add3A_162 = arith.addf %reshape3A_154, %slice3A_161 : vector<144x768xf32>
    %concatenate3A_163 = tpu.concatenate %slice3A_160, %add3A_162 in 0 : vector<1x768xf32>, vector<144x768xf32> -> vector<145x768xf32>
    %swap3A_164 = arith.constant 0 : index
    %swap3A_165 = arith.constant 330 : index
    %swap3A_166 = arith.constant 0 : index
    %swap3A_167 = vector.load %arg11[%swap3A_164, %swap3A_165, %swap3A_166] : memref<1x620x768xf32, #tpu.memory_space<vmem>>, vector<1x145x768xf32>
    %swap3A_168 = vector.shape_cast %swap3A_167 : vector<1x145x768xf32> to vector<145x768xf32>
    %swap3A_169 = vector.shape_cast %concatenate3A_163 : vector<145x768xf32> to vector<1x145x768xf32>
    tpu.vector_store %arg11[%swap3A_164, %swap3A_165, %swap3A_166], %swap3A_169 {strides = array<i32>} : memref<1x620x768xf32, #tpu.memory_space<vmem>>, vector<1x145x768xf32>,
    %get3A_170 = arith.constant 0 : index
    %get3A_171 = arith.constant 3 : index
    %get3A_172 = arith.constant 0 : index
    %get3A_173 = arith.constant 0 : index
    %get3A_174 = arith.constant 0 : index
    %get3A_175 = vector.load %arg1[%get3A_170, %get3A_171, %get3A_172, %get3A_173, %get3A_174] : memref<1x4x3x384x384xf32, #tpu.memory_space<vmem>>, vector<1x1x3x384x384xf32>
    %get3A_176 = vector.shape_cast %get3A_175 : vector<1x1x3x384x384xf32> to vector<3x384x384xf32>
    %convert_element_type3A_177 = arith.truncf %get3A_176 : vector<3x384x384xf32> to vector<3x384x384xbf16>
    %reshape3A_178 = vector.shape_cast %convert_element_type3A_177 : vector<3x384x384xbf16> to vector<1152x384xbf16>
    %transpose3A_179 = tpu.transpose %reshape3A_178, [1, 0] : vector<1152x384xbf16> -> vector<384x1152xbf16>
    %reshape3A_180 = vector.shape_cast %transpose3A_179 : vector<384x1152xbf16> to vector<12x32x1152xbf16>
    %transpose3A_181 = tpu.transpose %reshape3A_180, [0, 2, 1] : vector<12x32x1152xbf16> -> vector<12x1152x32xbf16>
    %reshape3A_182 = vector.shape_cast %transpose3A_181 : vector<12x1152x32xbf16> to vector<12x3x12x32x32xbf16>
    %transpose3A_183 = tpu.transpose %reshape3A_182, [0, 2, 1, 3, 4] : vector<12x3x12x32x32xbf16> -> vector<12x12x3x32x32xbf16>
    %reshape3A_184 = vector.shape_cast %transpose3A_183 : vector<12x12x3x32x32xbf16> to vector<144x3072xbf16>
    %get3A_185 = arith.constant 0 : index
    %get3A_186 = arith.constant 0 : index
    %get3A_187 = vector.load %arg9[%get3A_185, %get3A_186] : memref<768x3072xbf16, #tpu.memory_space<vmem>>, vector<768x3072xbf16>
    %dot_general3A_188 = arith.constant dense<0.000000e+00> : vector<144x768xf32>
    %dot_general3A_189 = tpu.matmul %reshape3A_184, %get3A_187, %dot_general3A_188 {dimension_numbers = #tpu.dot_dimension_numbers<[1], [1], [0], [0], [0, 0, 1, 0], [], []>, transpose_lhs_hint = false} : vector<144x3072xbf16>, vector<768x3072xbf16>, vector<144x768xf32> -> vector<144x768xf32>
    %reshape3A_190 = vector.shape_cast %dot_general3A_189 : vector<144x768xf32> to vector<12x12x768xf32>
    %transpose3A_191 = tpu.transpose %reshape3A_190, [1, 0, 2] : vector<12x12x768xf32> -> vector<12x12x768xf32>
    %reshape3A_192 = vector.shape_cast %transpose3A_191 : vector<12x12x768xf32> to vector<144x768xf32>
    %get3A_193 = arith.constant 3 : index
    %get3A_194 = arith.constant 0 : index
    %get3A_195 = arith.constant 0 : index
    %get3A_196 = vector.load %arg10[%get3A_193, %get3A_194, %get3A_195] : memref<4x145x768xf32, #tpu.memory_space<vmem>>, vector<1x145x768xf32>
    %get3A_197 = vector.shape_cast %get3A_196 : vector<1x145x768xf32> to vector<145x768xf32>
    %slice3A_198 = vector.extract_strided_slice %get3A_197 {offsets = [0, 0], sizes = [1, 768], strides = [1, 1]} : vector<145x768xf32> to vector<1x768xf32>
    %slice3A_199 = vector.extract_strided_slice %get3A_197 {offsets = [1, 0], sizes = [144, 768], strides = [1, 1]} : vector<145x768xf32> to vector<144x768xf32>
    %add3A_200 = arith.addf %reshape3A_192, %slice3A_199 : vector<144x768xf32>
    %concatenate3A_201 = tpu.concatenate %slice3A_198, %add3A_200 in 0 : vector<1x768xf32>, vector<144x768xf32> -> vector<145x768xf32>
    %swap3A_202 = arith.constant 0 : index
    %swap3A_203 = arith.constant 475 : index
    %swap3A_204 = arith.constant 0 : index
    %swap3A_205 = vector.load %arg11[%swap3A_202, %swap3A_203, %swap3A_204] : memref<1x620x768xf32, #tpu.memory_space<vmem>>, vector<1x145x768xf32>
    %swap3A_206 = vector.shape_cast %swap3A_205 : vector<1x145x768xf32> to vector<145x768xf32>
    %swap3A_207 = vector.shape_cast %concatenate3A_201 : vector<145x768xf32> to vector<1x145x768xf32>
    tpu.vector_store %arg11[%swap3A_202, %swap3A_203, %swap3A_204], %swap3A_207 {strides = array<i32>} : memref<1x620x768xf32, #tpu.memory_space<vmem>>, vector<1x145x768xf32>,
    return
  }
  func.func @transform_0(%arg0: i32) -> (i32, i32, i32, i32, i32) {
    %c0_i32 = arith.constant 0 : i32
    %c0_i32_0 = arith.constant 0 : i32
    %c0_i32_1 = arith.constant 0 : i32
    %c0_i32_2 = arith.constant 0 : i32
    %c0_i32_3 = arith.constant 0 : i32
    return %arg0, %c0_i32, %c0_i32_0, %c0_i32_1, %c0_i32_2 : i32, i32, i32, i32, i32
  }
  func.func @transform_1(%arg0: i32) -> (i32, i32, i32) {
    %c0_i32 = arith.constant 0 : i32
    %c0_i32_0 = arith.constant 0 : i32
    %c0_i32_1 = arith.constant 0 : i32
    return %arg0, %c0_i32, %c0_i32_0 : i32, i32, i32
  }
  func.func @transform_2(%arg0: i32) -> (i32, i32, i32) {
    %c0_i32 = arith.constant 0 : i32
    %c0_i32_0 = arith.constant 0 : i32
    %c0_i32_1 = arith.constant 0 : i32
    return %arg0, %c0_i32, %c0_i32_0 : i32, i32, i32
  }
  func.func @transform_3(%arg0: i32) -> (i32, i32) {
    %c0_i32 = arith.constant 0 : i32
    %c0_i32_0 = arith.constant 0 : i32
    %c0_i32_1 = arith.constant 0 : i32
    return %c0_i32, %c0_i32_0 : i32, i32
  }
  func.func @transform_4(%arg0: i32) -> (i32, i32) {
    %c0_i32 = arith.constant 0 : i32
    %c0_i32_0 = arith.constant 0 : i32
    %c0_i32_1 = arith.constant 0 : i32
    return %c0_i32, %c0_i32_0 : i32, i32
  }
  func.func @transform_5(%arg0: i32) -> (i32, i32) {
    %c0_i32 = arith.constant 0 : i32
    %c0_i32_0 = arith.constant 0 : i32
    %c0_i32_1 = arith.constant 0 : i32
    return %c0_i32, %c0_i32_0 : i32, i32
  }
  func.func @transform_6(%arg0: i32) -> (i32, i32) {
    %c0_i32 = arith.constant 0 : i32
    %c0_i32_0 = arith.constant 0 : i32
    %c0_i32_1 = arith.constant 0 : i32
    return %c0_i32, %c0_i32_0 : i32, i32
  }
  func.func @transform_7(%arg0: i32) -> (i32, i32) {
    %c0_i32 = arith.constant 0 : i32
    %c0_i32_0 = arith.constant 0 : i32
    %c0_i32_1 = arith.constant 0 : i32
    return %c0_i32, %c0_i32_0 : i32, i32
  }
  func.func @transform_8(%arg0: i32) -> (i32, i32) {
    %c0_i32 = arith.constant 0 : i32
    %c0_i32_0 = arith.constant 0 : i32
    %c0_i32_1 = arith.constant 0 : i32
    return %c0_i32, %c0_i32_0 : i32, i32
  }
  func.func @transform_9(%arg0: i32) -> (i32, i32, i32) {
    %c0_i32 = arith.constant 0 : i32
    %c0_i32_0 = arith.constant 0 : i32
    %c0_i32_1 = arith.constant 0 : i32
    %c0_i32_2 = arith.constant 0 : i32
    return %c0_i32, %c0_i32_0, %c0_i32_1 : i32, i32, i32
  }
  func.func @transform_10(%arg0: i32) -> (i32, i32, i32) {
    %c0_i32 = arith.constant 0 : i32
    %c0_i32_0 = arith.constant 0 : i32
    %c0_i32_1 = arith.constant 0 : i32
    return %arg0, %c0_i32, %c0_i32_0 : i32, i32, i32
  }
}

</mosaic_0001>

<sc_bundles>
// kernel: kernel.4.cloned.1.call-start
scs
__scs_entry_jumppad:
0x0: {  	(pc) =	sbr.rel $0x88, $3  }
0x1: {  	(tag) =	ssettag $0x0;
	lr =	simm.s32 $0x1  }
0x2: {  	[smem:$0x3F91] =	sst lr;
	_ =	strace $0xD0000000  }
0x3: {  	_ = 	snop  }
0x4: {  	_ = 	snop  }
0x5: {  	_ = 	snop  }
0x6: {  	_ = 	snop  }
0x7: {  	_ = 	snop  }
__scs_overlays_trampoline_lowered:
0x8: {  	[smem:$0x3FA0] =	sst s0  }
0x9: {  	[smem:$0x3FA1] =	sst s1  }
0xa: {  	[smem:$0x3FA2] =	sst s2  }
0xb: {  	[smem:$0x3FA3] =	sst s3  }
0xc: {  	[smem:$0x3FA4] =	sst s4  }
0xd: {  	[smem:$0x3FA5] =	sst s5  }
0xe: {  	[smem:$0x3FA6] =	sst s6  }
0xf: {  	[smem:$0x3FA7] =	sst s7  }
0x10: {  	[smem:$0x3FA8] =	sst s8  }
0x11: {  	[smem:$0x3FA9] =	sst s9;
	s0 =	simm.s32 @!p0 $0x0  }
0x12: {  	s1 =	sld [smem:$0x3F8F];
	s0 =	simm.s32 @p0 $0x1  }
0x13: {  	[smem:$0x3FAA] =	sst s0;
	s0 =	simm.s32 @!p1 $0x0  }
0x14: {  	s2 =	sld [smem:$0x3F8E];
	s0 =	simm.s32 @p1 $0x1  }
0x15: {  	[smem:$0x3FAB] =	sst s0;
	s0 =	simm.s32 @!p2 $0x0  }
0x16: {  	s3 =	sld [smem:$0x3FDB];
	s0 =	simm.s32 @p2 $0x1  }
0x17: {  	s4 =	simm.s32 $0x1BF5;
	[smem:$0x3FAD] =	sst s0  }
0x18: {  	s0 =	sld [smem:$0x3F90];
	_ =	swait.ge [sflag:s4], $0x0  }
0x19: {  	s7 =	sld [smem:$0x3F91]  }
0x1a: {  	s8 =	sadd.s32 $0xFFFFE003, lr  }
0x1b: {  	s9 =	sadd.s32 $0xFFFFFEF7, lr;
	s5 =	simm.s32 $0xFFFFFFFF;
	p2 =	slt.u32 s8, $0xFFFFF086  }
0x1c: {  	p1 =	slt.u32 s9, $0xF7A;
	s5 =	simm.s32 @!p2 $0x0  }
0x1d: {  	s5 =	simm.s32 @p1 $0x1;
	p0 =	seq.s32 s7, s2  }
0x1e: {  	s7 =	smul.u32 @!p0 $0xF7A, s2;
	p2 =	seq.s32 @!p0 s5, $0x0  }
0x1f: {  	s9 =	smul.u32 $0xF7A, s1;
	s8 =	simm.s32 @!p0 $0x1BF5;
	p2 =	por !p2, p0  }
0x20: {  	[sflag:s8] =	ssyncset.s32 @!p0 $0xFFFFF086;
	s6 =	sadd.s32 @!p0 s3, s7;
	s7 =	simm.s32 @!p0 $0x108  }
0x21: {  	s3 =	sadd.s32 s3, s9;
	s6 =	sadd.s32 @!p0 $0x88, s6;
	s7 =	simm.s32 @p2 $0x1082  }
0x22: {  	[simem:s7], [sflag:s8] =	dma.local @!p0 [hbm:s6], $0xF7A  }
0x23: {  	s9 =	sor.u32 $0xD0000000, s2;
	s6 =	simm.s32 $0x108;
	_ =	swait.ge @!p0 [sflag:s8], $0x0  }
0x24: {  	s3 =	sadd.s32 $0x88, s3;
	s6 =	simm.s32 @!p1 $0x1082;
	[sflag:s4] =	ssyncset.s32 $0xFFFFF086  }
0x25: {  	[simem:s6], [sflag:s4] =	dma.local [hbm:s3], $0xF7A  }
0x26: {  	[smem:$0x3F91] =	sst s1;
	(tag) =	ssettag s2;
	_ =	strace s9  }
0x27: {  	s1 =	sld [smem:$0x3FA1]  }
0x28: {  	s2 =	sld [smem:$0x3FA2]  }
0x29: {  	s4 =	sld [smem:$0x3FA4]  }
0x2a: {  	p0 =	seq.s32 s5, $0x0;
	s5 =	sld [smem:$0x3FA5]  }
0x2b: {  	s6 =	sld [smem:$0x3FA6]  }
0x2c: {  	s7 =	sld [smem:$0x3FA7]  }
0x2d: {  	s3 =	simm.s32 $0x108;
	s8 =	sld [smem:$0x3FA8]  }
0x2e: {  	s3 =	simm.s32 @!p0 $0x1082;
	s9 =	sld [smem:$0x3FA9]  }
0x2f: {  	lr =	sadd.s32 s0, s3;
	s0 =	sld [smem:$0x3FA0]  }
0x30: {  	s3 =	sld [smem:$0x3FA3]  }
0x31: {  	[smem:$0x3FAC] =	sst s10  }
0x32: {  	s10 =	sld [smem:$0x3FAA];
	_ =	sdelay $0x3  }
0x33: {  	p0 =	seq.s32 s10, $0x1;
	s10 =	sld [smem:$0x3FAC];
	_ =	sdelay $0x3  }
0x34: {  	[smem:$0x3FAC] =	sst s10  }
0x35: {  	s10 =	sld [smem:$0x3FAB];
	_ =	sdelay $0x3  }
0x36: {  	p1 =	seq.s32 s10, $0x1;
	s10 =	sld [smem:$0x3FAC];
	_ =	sdelay $0x3  }
0x37: {  	[smem:$0x3FAC] =	sst s10  }
0x38: {  	s10 =	sld [smem:$0x3FAD]  }
0x39: {  	_ = 	snop;
	(pc) =	sbr.ind lr, $3  }
0x3a: {  	_ = 	snop  }
0x3b: {  	_ = 	snop  }
0x3c: {  	p2 =	seq.s32 s10, $0x1;
	s10 =	sld [smem:$0x3FAC]  }
0x3d: {  	_ =	shalt  }
0x3e: {  	_ =	shalt  }
0x3f: {  	_ =	shalt  }
0x40: {  	_ =	shalt  }
0x41: {  	_ =	shalt  }
0x42: {  	_ =	shalt  }
0x43: {  	_ =	shalt  }
0x44: {  	_ =	shalt  }
0x45: {  	_ =	shalt  }
0x46: {  	_ =	shalt  }
0x47: {  	_ =	shalt  }
0x48: {  	_ =	shalt  }
0x49: {  	_ =	shalt  }
0x4a: {  	_ =	shalt  }
0x4b: {  	_ =	shalt  }
0x4c: {  	_ =	shalt  }
0x4d: {  	_ =	shalt  }
0x4e: {  	_ =	shalt  }
0x4f: {  	_ =	shalt  }
0x50: {  	_ =	shalt  }
0x51: {  	_ =	shalt  }
0x52: {  	_ =	shalt  }
0x53: {  	_ =	shalt  }
0x54: {  	_ =	shalt  }
0x55: {  	_ =	shalt  }
0x56: {  	_ =	shalt  }
0x57: {  	_ =	shalt  }
0x58: {  	_ =	shalt  }
0x59: {  	_ =	shalt  }
0x5a: {  	_ =	shalt  }
0x5b: {  	_ =	shalt  }
0x5c: {  	_ =	shalt  }
0x5d: {  	_ =	shalt  }
0x5e: {  	_ =	shalt  }
0x5f: {  	_ =	shalt  }
0x60: {  	_ =	shalt  }
0x61: {  	_ =	shalt  }
0x62: {  	_ =	shalt  }
0x63: {  	_ =	shalt  }
0x64: {  	_ =	shalt  }
0x65: {  	_ =	shalt  }
0x66: {  	_ =	shalt  }
0x67: {  	_ =	shalt  }
0x68: {  	_ =	shalt  }
0x69: {  	_ =	shalt  }
0x6a: {  	_ =	shalt  }
0x6b: {  	_ =	shalt  }
0x6c: {  	_ =	shalt  }
0x6d: {  	_ =	shalt  }
0x6e: {  	_ =	shalt  }
0x6f: {  	_ =	shalt  }
0x70: {  	_ =	shalt  }
0x71: {  	_ =	shalt  }
0x72: {  	_ =	shalt  }
0x73: {  	_ =	shalt  }
0x74: {  	_ =	shalt  }
0x75: {  	_ =	shalt  }
0x76: {  	_ =	shalt  }
0x77: {  	_ =	shalt  }
0x78: {  	_ =	shalt  }
0x79: {  	_ =	shalt  }
0x7a: {  	_ =	shalt  }
0x7b: {  	_ =	shalt  }
0x7c: {  	_ =	shalt  }
0x7d: {  	_ =	shalt  }
0x7e: {  	_ =	shalt  }
0x7f: {  	_ =	shalt  }
0x80: {  	_ =	shalt  }
0x81: {  	_ =	shalt  }
0x82: {  	_ =	shalt  }
0x83: {  	_ =	shalt  }
0x84: {  	_ =	shalt  }
0x85: {  	_ =	shalt  }
0x86: {  	_ =	shalt  }
0x87: {  	_ =	shalt  }
.Lfunc_end0:
.L_simem_size_0:
called_computation_lowered:
.L_overlay_start_0:
0x88: {  	s2 =	sld [smem:$0x3FD9]  }
0x89: {  	s3 =	sld [smem:$0x3FFE];
	_ =	sdelay $0x1  }
0x8a: {  	s1 =	srdreg.scid  }
0x8b: {  	s0 =	sand.u32 $0x1, s1  }
0x8c: {  	s14 =	sshll.u32 s0, $0xA;
	s2 =	sadd.s32 s3, s2  }
0x8d: {  	s2 =	sadd.s32 s2, s14  }
0x8e: {  	[smem:$0x3FB8] =	sst s2  }
0x8f: {  	_ = 	snop  }
0x90: {  	s2 =	sld [smem:$0x3FD0];
	_ =	sdelay $0x2  }
0x91: {  	s4 =	simm.s32 $0xA;
	s5 =	simm.s32 $0x10;
	s15 =	sld [smem:$0x3FC4]  }
0x92: {  	[smem:s5], [sflag:s4] =	dma.local [hbm:s2], $0x1  }
0x93: {  	_ =	swait.eq [sflag:s4], $0x1  }
0x94: {  	[sflag:s4] =	ssyncset.done $0x0  }
0x95: {  	[sflag:s4] =	ssyncadd.s32 $0xFFFFFFFF  }
0x96: {  	s16 =	sld [smem:$0x10];
	(tm) =	ssettm $0x1  }
0x97: {  	s17 =	sld [smem:$0x3FFB];
	_ =	sdelay $0x3  }
0x98: {  	_ =	strace s17  }
0x99: {  	s4 =	sld [smem:$0x3FFC];
	_ =	sdelay $0x3  }
0x9a: {  	_ =	strace s4  }
0x9b: {  	s4 =	sld [smem:$0x3FFD];
	_ =	sdelay $0x3  }
0x9c: {  	_ =	strace s4  }
0x9d: {  	_ =	strace $0x8FFFFFFF  }
0x9e: {  	s18 =	sld [smem:$0x3FDB];
	_ =	sdelay $0x1  }
0x9f: {  	s19 =	simm.s32 $_scs_section_size  }
0xa0: {  	s6 =	simm.s32 $_size__tile_overlayer_lowered;
	s7 =	simm.s32 $_tile_overlayer_lowered  }
0xa1: {  	s22 =	simm.s32 $0x1BFF;
	s21 =	sshll.u32 s7, $0x1;
	s4 =	sadd.s32 s19, s18  }
0xa2: {  	s8 =	simm.s32 $0x0;
	s20 =	sshll.u32 s6, $0x1;
	s6 =	sadd.s32 s21, s4  }
0xa3: {  	[timem:s8], [sflag:s22] =	dma.local [hbm:s6], s20  }
0xa4: {  	_ =	swait.ge [sflag:s22], s20  }
0xa5: {  	s5 =	ssub.s32 $0x0, s20;
	[sflag:s22] =	ssyncset.done $0x0  }
0xa6: {  	[sflag:s22] =	ssyncadd.s32 s5;
	_ =	sdelay $0x1  }
0xa7: {  	s23 =	simm.s32 $0x1B8B  }
0xa8: {  	_ =	swait.ge [sflag:s23], $0x1  }
0xa9: {  	[sflag:s23] =	ssyncset.done $0x0  }
0xaa: {  	s25 =	simm.s32 $0x1B8E;
	s24 =	sld [smem:$0x3FFE];
	[sflag:s23] =	ssyncadd.s32 $0xFFFFFFFF  }
0xab: {  	s26 =	simm.s32 $execute0_lowered;
	[smem:$0x3FD2] =	sst s25  }
0xac: {  	s6 =	sshll.u32 s26, $0x1;
	_ =	strace $0x80000046;
	[dreg:$0x1] =	wrdreg $0xFFFFFFFF  }
0xad: {  	s28 =	simm.s32 $_size_execute0_lowered;
	s4 =	sadd.s32 s4, s6;
	[dreg:$0x0] =	wrdreg $0x0  }
0xae: {  	s6 =	sshll.u32 s28, $0x1;
	[dreg:$0x2] =	wrdreg s4  }
0xaf: {  	[dreg:$0x3] =	wrdreg s6  }
0xb0: {  	[dreg:$0x4] =	wrdreg $0xC0  }
0xb1: {  	_ =	task [dreg:s8], $0x5FFFF  }
0xb2: {  	[dreg:$0x1] =	wrdreg $0xFFFFFFFF  }
0xb3: {  	[dreg:$0x0] =	wrdreg $0x60  }
0xb4: {  	[dreg:$0x2] =	wrdreg s15  }
0xb5: {  	[dreg:$0x3] =	wrdreg s24  }
0xb6: {  	[dreg:$0x4] =	wrdreg s16  }
0xb7: {  	[dreg:$0x5] =	wrdreg $0x9  }
0xb8: {  	_ =	task.clear_ibuf [dreg:s8], $0x6FFFF;
	_ =	strace $0x90000046  }
0xb9: {  	s29 =	simm.s32 $0x9;
	_ =	strace $0x80000048  }
0xba: {  	_ =	swait.ge [sflag:s29], $0x1  }
0xbb: {  	[sflag:s29] =	ssyncadd.s32 $0xFFFFFFFF  }
0xbc: {  	_ =	strace $0x90000048  }
0xbd: {  	_ =	sfence  }
0xbe: {  	s30 =	sld [smem:$0x0];
	_ =	sdelay $0x2  }
0xbf: {  	s31 =	sshll.u32 s1, $0xD;
	s1 =	sshrl.u32 s1, $0x2  }
0xc0: {  	s3 =	sand.u32 $0x4000, s31;
	s1 =	sadd.s32 s1, s30  }
0xc1: {  	s0 =	sor.u32 s3, s0;
	s1 =	sshll.u32 s1, $0x11  }
0xc2: {  	s0 =	sor.u32 s1, s0  }
0xc3: {  	s0 =	sadd.s32 $0x8F2B, s0  }
0xc4: {  	[sflag:s0] =	ssyncadd.remote.s32 $0x1  }
0xc5: {  	_ =	sfence.sel $0xFFFF  }
0xc6: {  	[dreg:$0x0] =	wrdreg $0xFFFFFFFF;
	(pc) =	sbr.abs _section_cstart, $3  }
0xc7: {  	[dreg:$0x1] =	wrdreg $0xFFFFFFFF  }
0xc8: {  	_ =	task.clear_ibuf [dreg:s8], $0x2FFFF;
	_ =	strace $0x9FFFFFFF  }
0xc9: {  	(tm) =	ssettm $0x7FFFFFFF  }
tec
execute0_lowered:
.L_overlay_start_1:
0x0: {  	(tag) =	ssettag $0x1  }
0x1: {  	s2 =	rddreg [dreg:$0x0]  }
0x2: {  	s4 =	rddreg [dreg:$0x1]  }
0x3: {  	s1 =	srdreg.scid;
	s0 =	stileid.u32  }
0x4: {  	s12 =	rddreg [dreg:$0x2];
	s7 =	sand.u32 $0x1, s1;
	s5 =	sshll.u32 s0, $0x1  }
0x5: {  	s3 =	simm.s32 $0x0;
	s1 =	rddreg [dreg:$0x3];
	s13 =	sor.u32 s7, s5  }
0x6: {  	[smem:$0x7FF] =	sst s3;
	s4 =	sadd.s32 s13, s4  }
0x7: {  	_ =	strace $0x80000047;
	s5 =	sadd.s32 $0x1A00, s4;
	s4 =	simm.s32 $0x2  }
0x8: {  	[tilespmem:s3], [sflag:$0x2] =	stream.linear.gather [hbm4b:s5+s3], $0x8, $0x38;
	[tilespmem:$0x1880] =	vst v63  }
0x9: {  	_ =	swait.ge [sflag:s4], $0x8  }
0xa: {  	[sflag:s4] =	ssyncset.done $0x0  }
0xb: {  	[sflag:s4] =	ssyncadd.s32 $0xFFFFFFF8  }
0xc: {  	v0 =	vld.msk [tilespmem:$0x0], $0xff;
	_ =	sdelay $0x4  }
0xd: {  	v1 =	vshrl.u32 v0, $0x3  }
0xe: {  	v1 =	vmul.u32 $0x30, v1  }
0xf: {  	v2 =	vlaneseq.u32;
	v3 =	vand.u32 $0x7, v0  }
0x10: {  	v0 =	vand.u32 $0x7, v2;
	v2 =	vshrl.u32 v2, $0x3;
	v3 =	vor.u32 v3, v1  }
0x11: {  	v1 =	vmul.u32 $0x8, v2;
	v2 =	vperm.xlane v3, v0;
	_ =	sdelay $0x1  }
0x12: {  	v2 =	vadd.s32 v1, v2;
	_ =	sdelay $0x2  }
0x13: {  	s14 =	ssub.s32 $0x2, s7  }
0x14: {  	vm0 =	vmmov $0xffff;
	s6 =	simm.s32 $0x80;
	s8 =	simm.s32 $0x880;
	s15 =	sshrl.u32 s14, $0x1  }
0x15: {  	[tilespmem:s6], [sflag:$0x1] =	stream.indirect_vreg.gather [hbm4b:s2+s3], $0x80, v2, vm0, $0xb8;
	[tilespmem:$0x1880] =	vst v63  }
0x16: {  	s10 =	simm.s32 $0x1080;
	s7 =	sadd.s32 $0x100, s2;
	s14 =	ssub.s32 s14, s15  }
0x17: {  	[tilespmem:s8], [sflag:$0x1] =	stream.indirect_vreg.gather [hbm4b:s7+s3], $0x80, v2, vm0, $0xb8;
	[tilespmem:$0x1880] =	vst v63  }
0x18: {  	s11 =	simm.s32 $0x1;
	s9 =	sadd.s32 $0x200, s2;
	s31 =	smax.u32 s14, $0x1  }
0x19: {  	[tilespmem:s10], [sflag:$0x1] =	stream.indirect_vreg.gather [hbm4b:s9+s3], $0x80, v2, vm0, $0xb8;
	[tilespmem:$0x1880] =	vst v63  }
0x1a: {  	s13 =	smul.u32 $0x300, s13;
	p0 =	sne.s32 s31, $0x1;
	_ =	swait.ge [sflag:s11], $0x1800  }
.Ltmp0:
0x1b: {  	[sflag:s11] =	ssyncset.done $0x0;
	(pc) =	sbr.rel @!p0 .LBB2_2-.Ltmp0, $4  }
0x1c: {  	s12 =	sadd.s32 s12, s13;
	[sflag:s11] =	ssyncadd.s32 $0xFFFFE800  }
0x1d: {  	[hbm4b:s12+s3] =	stream.linear.scatter [tilespmem:s6], [sflag:$0x2], $0x1800, $0x38;
	[tilespmem:$0x1880] =	vst v63  }
0x1e: {  	_ =	swait.ge [sflag:s4], $0x1800  }
0x1f: {  	s13 =	sadd.s32 $0xFFFFFFFF, s31;
	[sflag:s4] =	ssyncset.done $0x0  }
.LBB2_1:
0x20: {  	p0 =	sne.s32 s13, $0x1;
	s13 =	sadd.s32 $0xFFFFFFFF, s13;
	[sflag:s4] =	ssyncadd.s32 $0xFFFFE800  }
0x21: {  	[tilespmem:s3], [sflag:$0x2] =	stream.linear.gather [hbm4b:s5+s3], $0x8, $0x38;
	[tilespmem:$0x1880] =	vst v63  }
0x22: {  	_ =	swait.ge [sflag:s4], $0x8  }
0x23: {  	[sflag:s4] =	ssyncset.done $0x0  }
0x24: {  	[sflag:s4] =	ssyncadd.s32 $0xFFFFFFF8  }
0x25: {  	v2 =	vld.msk [tilespmem:$0x0], $0xff;
	_ =	sdelay $0x4  }
0x26: {  	v3 =	vshrl.u32 v2, $0x3  }
0x27: {  	v3 =	vmul.u32 $0x30, v3  }
0x28: {  	v2 =	vand.u32 $0x7, v2  }
0x29: {  	v2 =	vor.u32 v2, v3  }
0x2a: {  	v2 =	vperm.xlane v2, v0;
	_ =	sdelay $0x1  }
0x2b: {  	v2 =	vadd.s32 v1, v2;
	_ =	sdelay $0x4  }
0x2c: {  	[tilespmem:s6], [sflag:$0x1] =	stream.indirect_vreg.gather [hbm4b:s2+s3], $0x80, v2, vm0, $0xb8;
	[tilespmem:$0x1880] =	vst v63  }
0x2d: {  	_ = 	snop  }
0x2e: {  	[tilespmem:s8], [sflag:$0x1] =	stream.indirect_vreg.gather [hbm4b:s7+s3], $0x80, v2, vm0, $0xb8;
	[tilespmem:$0x1880] =	vst v63  }
0x2f: {  	_ = 	snop  }
0x30: {  	[tilespmem:s10], [sflag:$0x1] =	stream.indirect_vreg.gather [hbm4b:s9+s3], $0x80, v2, vm0, $0xb8;
	[tilespmem:$0x1880] =	vst v63  }
0x31: {  	_ =	swait.ge [sflag:s11], $0x1800  }
.Ltmp1:
0x32: {  	[sflag:s11] =	ssyncset.done $0x0;
	(pc) =	sbr.rel @p0 .LBB2_1-.Ltmp1, $4  }
0x33: {  	[sflag:s11] =	ssyncadd.s32 $0xFFFFE800  }
0x34: {  	[hbm4b:s12+s3] =	stream.linear.scatter [tilespmem:s6], [sflag:$0x2], $0x1800, $0x38;
	[tilespmem:$0x1880] =	vst v63  }
0x35: {  	_ =	swait.ge [sflag:s4], $0x1800  }
0x36: {  	[sflag:s4] =	ssyncset.done $0x0  }
.LBB2_2:
0x37: {  	[sflag:s4] =	ssyncadd.s32 $0xFFFFE800  }
0x38: {  	_ =	sfence.sel $0x180000  }
0x39: {  	[bflag:$0x0] =	sbarrier.arrive $0xFFFF  }
0x3a: {  	p0 =	sne.s32 s0, $0x0;
	_ =	strace $0x90000047  }
0x3b: {  	s0 =	sadd.s32 @!p0 $0x100000, s1;
	[bflag:$0x2] =	sbarrier.arrive $0xFFFF  }
0x3c: {  	[sflag:s0] =	ssyncadd.tile.s32 @!p0 $0x1;
	_ =	shalt  }
.Lfunc_end2:
_tile_overlayer_lowered:
.L_overlay_start_2:
0x3d: {  	(tag) =	ssettag $0x2  }
0x3e: {  	s0 =	rddreg [dreg:$0x0];
	s2 =	stileid.u32  }
0x3f: {  	s1 =	rddreg [dreg:$0x1];
	p0 =	sne.s32 s2, $0x0  }
0x40: {  	s3 =	rddreg [dreg:$0x2];
	[bflag:$0x3] =	sbarrier.arrive $0xFFFF;
	s2 =	simm.s32 @!p0 $0x1C02  }
0x41: {  	[timem:s3], [sflag:s2] =	dma.local @!p0 [hbm:s0], s1  }
0x42: {  	s0 =	simm.s32 @!p0 $0x2  }
0x43: {  	_ =	swait.ge @!p0 [sflag:s0], s1  }
0x44: {  	s1 =	ssub.s32 @!p0 $0x0, s1;
	[sflag:s0] =	ssyncset.done @!p0 $0x0  }
0x45: {  	[sflag:s0] =	ssyncadd.s32 @!p0 s1  }
0x46: {  	[bflag:$0x3] =	sbarrier.arrive $0xFFFF  }
0x47: {  	_ =	shalt  }

</sc_bundles>
